<compile_context>
chip_gen: v7x
topology: tpu7x:2x2x1
jax: 0.10.2.dev20260603
libtpu: 0.0.44.dev20260713+nightly
codegen_flags: <defaults>
</compile_context>

<pallas_src>
import functools

import jax
import jax.numpy as jnp
from jax import lax
from jax.experimental import pallas as pl
from jax.experimental.pallas import tpu as pltpu
from jax.experimental.pallas import tpu_sc as plsc

B = 1024
V = 100000
L = 16
NC, NS = 1, 16
NW = NC * NS
BPW = B // NW
TR, TL = 8, 128


@functools.partial(
    pl.kernel,
    mesh=plsc.VectorSubcoreMesh(
        core_axis_name="c", subcore_axis_name="s", num_cores=NC),
    out_type=jax.ShapeDtypeStruct((B,), jnp.float32),
    compiler_params=pltpu.CompilerParams(needs_layout_passes=False),
    scratch_types=[
        pltpu.VMEM((BPW,), jnp.int32),
        pltpu.VMEM((BPW,), jnp.int32),
        pltpu.VMEM((BPW,), jnp.float32),
        pltpu.VMEM((BPW,), jnp.float32),
        pltpu.VMEM((BPW,), jnp.float32),
        pltpu.SemaphoreType.DMA,
    ],
)
def _nll_sc(flat_hbm, inputs_hbm, mask_hbm, out_hbm,
            idx_v, phys_v, vals_v, mask_v, out_v, sem):
    wid = lax.axis_index("s") * NC + lax.axis_index("c")
    base = wid * BPW

    pltpu.sync_copy(inputs_hbm.at[pl.ds(base, BPW)], idx_v)
    pltpu.sync_copy(mask_hbm.at[pl.ds(base, BPW)], mask_v)

    for j in range(BPW // L):
        sl = pl.ds(j * L, L)
        i = base + j * L + lax.iota(jnp.int32, L)
        v = idx_v[sl]
        tile = lax.bitwise_and(v, ~(TR - 1)) + lax.shift_right_logical(i, 7)
        intra = lax.bitwise_and(v, TR - 1) * TL + lax.bitwise_and(i, TL - 1)
        phys_v[sl] = tile * (TR * TL) + intra

    pltpu.async_copy(flat_hbm.at[phys_v], vals_v, sem).wait()

    for j in range(BPW // L):
        sl = pl.ds(j * L, L)
        out_v[sl] = -vals_v[sl] * mask_v[sl]

    pltpu.sync_copy(out_v, out_hbm.at[pl.ds(base, BPW)])


@jax.jit
def kernel(cost, inputs, mask):
    flat = (cost.T.reshape(V // TR, TR, B // TL, TL)
            .transpose(0, 2, 1, 3).reshape(B * V))
    return _nll_sc(flat, inputs.astype(jnp.int32), mask)

# --- scband reference (transcript-rebuilt; emitter-appended) ---
"""Pipeline reference for scband-masked-nllloss-37718402793473 (READ-ONLY COPY).

The authoritative reference and input builder live on the scoring server;
editing this copy changes nothing except your own understanding.
"""

import jax, jax.numpy as jnp
import numpy as np


def setup_inputs(seed: int = 0) -> dict:
    key = jax.random.key(seed)
    k1, k2, k3 = jax.random.split(key, 3)
    B, V = 1024, 100000
    cost = jax.random.normal(k1, (B, V), dtype=jnp.float32)
    inputs = jax.random.randint(k2, (B,), 0, V, dtype=jnp.int64) if jax.config.jax_enable_x64 else jax.random.randint(k2, (B,), 0, V, dtype=jnp.int32)
    mask = jax.random.uniform(k3, (B,), dtype=jnp.float32)
    return {"cost": cost, "inputs": inputs, "mask": mask}


def reference(cost, inputs, mask):
    # loss[i] = -cost[i, inputs[i]] * mask[i], vectorized gather
    gathered = jnp.take_along_axis(cost, inputs[:, None].astype(jnp.int32), axis=1)[:, 0]
    loss = -gathered * mask
    return loss

if __name__ == "__main__":
    import jax
    _d = setup_inputs()
    print(jax.jit(kernel)(*tuple(_d.values())))

</pallas_src>

<mosaic_0001>
#map = affine_map<(d0, d1) -> (0)>
module attributes {stable_mosaic.version = 14 : i64} {
  func.func @_nll_sc(%arg0: i32, %arg1: i32, %arg2: memref<102400000xf32, #tpu.memory_space<hbm>>, %arg3: memref<1024xi32, #tpu.memory_space<hbm>>, %arg4: memref<1024xf32, #tpu.memory_space<hbm>>, %arg5: memref<1024xf32, #tpu.memory_space<hbm>>, %arg6: memref<64xi32, #tpu.memory_space<vmem>>, %arg7: memref<64xi32, #tpu.memory_space<vmem>>, %arg8: memref<64xf32, #tpu.memory_space<vmem>>, %arg9: memref<64xf32, #tpu.memory_space<vmem>>, %arg10: memref<64xf32, #tpu.memory_space<vmem>>, %arg11: memref<!tpu.dma_semaphore, #tpu.memory_space<semaphore_mem>>) attributes {dimension_semantics = [#tpu.dimension_semantics<core_parallel>, #tpu.dimension_semantics<subcore_parallel>], iteration_bounds = array<i64: 1, 16>, scalar_prefetch = 0 : i64, scratch_operands = 6 : i64, tpu.core_type = #tpu.core_type<sc_vector_subcore>, window_params = [{transform_indices = #map}, {transform_indices = #map}, {transform_indices = #map}, {transform_indices = #map}]} {
    %mul3A = arith.constant 1 : i32
    %mul3A_0 = arith.muli %arg1, %mul3A : i32
    %add3A = arith.addi %mul3A_0, %arg0 : i32
    %mul3A_1 = arith.constant 64 : i32
    %mul3A_2 = arith.muli %add3A, %mul3A_1 : i32
    "tpu.region"() ({
      %run_scoped3A = tpu.sem_alloc : memref<!tpu.dma_semaphore, #tpu.memory_space<semaphore_mem>>
      %dma_start3A_159 = tpu.memref_slice %arg3[%mul3A_2] : memref<1024xi32, #tpu.memory_space<hbm>> -> memref<64xi32, #tpu.memory_space<hbm>>
      %dma_start3A_160 = tpu.memref_slice %arg3[%mul3A_2] : memref<1024xi32, #tpu.memory_space<hbm>> -> memref<64xi32, #tpu.memory_space<hbm>>
      tpu.enqueue_dma source(%dma_start3A_160 : memref<64xi32, #tpu.memory_space<hbm>>) target(%arg6 : memref<64xi32, #tpu.memory_space<vmem>>) target_semaphore(%run_scoped3A : memref<!tpu.dma_semaphore, #tpu.memory_space<semaphore_mem>>)
      %dma_wait3A_161 = tpu.memref_slice %arg3[%mul3A_2] : memref<1024xi32, #tpu.memory_space<hbm>> -> memref<64xi32, #tpu.memory_space<hbm>>
      %dma_wait3A_162 = tpu.memref_slice %arg3[%mul3A_2] : memref<1024xi32, #tpu.memory_space<hbm>> -> memref<64xi32, #tpu.memory_space<hbm>>
      tpu.wait_dma2 semaphore(%run_scoped3A : memref<!tpu.dma_semaphore, #tpu.memory_space<semaphore_mem>>) src(%dma_wait3A_162 : memref<64xi32, #tpu.memory_space<hbm>>) dst(%arg6 : memref<64xi32, #tpu.memory_space<vmem>>)
      tpu.yield
    }) : () -> ()
    "tpu.region"() ({
      %run_scoped3A = tpu.sem_alloc : memref<!tpu.dma_semaphore, #tpu.memory_space<semaphore_mem>>
      %dma_start3A_159 = tpu.memref_slice %arg4[%mul3A_2] : memref<1024xf32, #tpu.memory_space<hbm>> -> memref<64xf32, #tpu.memory_space<hbm>>
      %dma_start3A_160 = tpu.memref_slice %arg4[%mul3A_2] : memref<1024xf32, #tpu.memory_space<hbm>> -> memref<64xf32, #tpu.memory_space<hbm>>
      tpu.enqueue_dma source(%dma_start3A_160 : memref<64xf32, #tpu.memory_space<hbm>>) target(%arg9 : memref<64xf32, #tpu.memory_space<vmem>>) target_semaphore(%run_scoped3A : memref<!tpu.dma_semaphore, #tpu.memory_space<semaphore_mem>>)
      %dma_wait3A_161 = tpu.memref_slice %arg4[%mul3A_2] : memref<1024xf32, #tpu.memory_space<hbm>> -> memref<64xf32, #tpu.memory_space<hbm>>
      %dma_wait3A_162 = tpu.memref_slice %arg4[%mul3A_2] : memref<1024xf32, #tpu.memory_space<hbm>> -> memref<64xf32, #tpu.memory_space<hbm>>
      tpu.wait_dma2 semaphore(%run_scoped3A : memref<!tpu.dma_semaphore, #tpu.memory_space<semaphore_mem>>) src(%dma_wait3A_162 : memref<64xf32, #tpu.memory_space<hbm>>) dst(%arg9 : memref<64xf32, #tpu.memory_space<vmem>>)
      tpu.yield
    }) : () -> ()
    %add3A_3 = arith.constant 0 : i32
    %add3A_4 = arith.addi %mul3A_2, %add3A_3 : i32
    %iota3A = tpu.iota {dimensions = array<i32: 0>} : vector<16xi32>
    %add3A_5 = vector.broadcast %add3A_4 : i32 to vector<16xi32>
    %add3A_6 = arith.addi %add3A_5, %iota3A : vector<16xi32>
    %get3A = arith.constant 0 : index
    %get3A_7 = tpu.vector_load %arg6[%get3A] {strides = array<i32>} : memref<64xi32, #tpu.memory_space<vmem>>, vector<16xi32>,
    %and3A = arith.constant -8 : i32
    %and3A_8 = vector.broadcast %and3A : i32 to vector<16xi32>
    %and3A_9 = arith.andi %get3A_7, %and3A_8 : vector<16xi32>
    %shift_right_logical3A = arith.constant 7 : i32
    %shift_right_logical3A_10 = vector.broadcast %shift_right_logical3A : i32 to vector<16xi32>
    %shift_right_logical3A_11 = arith.shrui %add3A_6, %shift_right_logical3A_10 : vector<16xi32>
    %add3A_12 = arith.addi %and3A_9, %shift_right_logical3A_11 : vector<16xi32>
    %and3A_13 = arith.constant 7 : i32
    %and3A_14 = vector.broadcast %and3A_13 : i32 to vector<16xi32>
    %and3A_15 = arith.andi %get3A_7, %and3A_14 : vector<16xi32>
    %mul3A_16 = arith.constant 128 : i32
    %mul3A_17 = vector.broadcast %mul3A_16 : i32 to vector<16xi32>
    %mul3A_18 = arith.muli %and3A_15, %mul3A_17 : vector<16xi32>
    %and3A_19 = arith.constant 127 : i32
    %and3A_20 = vector.broadcast %and3A_19 : i32 to vector<16xi32>
    %and3A_21 = arith.andi %add3A_6, %and3A_20 : vector<16xi32>
    %add3A_22 = arith.addi %mul3A_18, %and3A_21 : vector<16xi32>
    %mul3A_23 = arith.constant 1024 : i32
    %mul3A_24 = vector.broadcast %mul3A_23 : i32 to vector<16xi32>
    %mul3A_25 = arith.muli %add3A_12, %mul3A_24 : vector<16xi32>
    %add3A_26 = arith.addi %mul3A_25, %add3A_22 : vector<16xi32>
    %swap3A = arith.constant 0 : index
    %swap3A_27 = tpu.vector_load %arg7[%swap3A] {strides = array<i32>} : memref<64xi32, #tpu.memory_space<vmem>>, vector<16xi32>,
    tpu.vector_store %arg7[%swap3A], %add3A_26 {strides = array<i32>} : memref<64xi32, #tpu.memory_space<vmem>>, vector<16xi32>,
    %add3A_28 = arith.constant 16 : i32
    %add3A_29 = arith.addi %mul3A_2, %add3A_28 : i32
    %iota3A_30 = tpu.iota {dimensions = array<i32: 0>} : vector<16xi32>
    %add3A_31 = vector.broadcast %add3A_29 : i32 to vector<16xi32>
    %add3A_32 = arith.addi %add3A_31, %iota3A_30 : vector<16xi32>
    %get3A_33 = arith.constant 16 : index
    %get3A_34 = tpu.vector_load %arg6[%get3A_33] {strides = array<i32>} : memref<64xi32, #tpu.memory_space<vmem>>, vector<16xi32>,
    %and3A_35 = arith.constant -8 : i32
    %and3A_36 = vector.broadcast %and3A_35 : i32 to vector<16xi32>
    %and3A_37 = arith.andi %get3A_34, %and3A_36 : vector<16xi32>
    %shift_right_logical3A_38 = arith.constant 7 : i32
    %shift_right_logical3A_39 = vector.broadcast %shift_right_logical3A_38 : i32 to vector<16xi32>
    %shift_right_logical3A_40 = arith.shrui %add3A_32, %shift_right_logical3A_39 : vector<16xi32>
    %add3A_41 = arith.addi %and3A_37, %shift_right_logical3A_40 : vector<16xi32>
    %and3A_42 = arith.constant 7 : i32
    %and3A_43 = vector.broadcast %and3A_42 : i32 to vector<16xi32>
    %and3A_44 = arith.andi %get3A_34, %and3A_43 : vector<16xi32>
    %mul3A_45 = arith.constant 128 : i32
    %mul3A_46 = vector.broadcast %mul3A_45 : i32 to vector<16xi32>
    %mul3A_47 = arith.muli %and3A_44, %mul3A_46 : vector<16xi32>
    %and3A_48 = arith.constant 127 : i32
    %and3A_49 = vector.broadcast %and3A_48 : i32 to vector<16xi32>
    %and3A_50 = arith.andi %add3A_32, %and3A_49 : vector<16xi32>
    %add3A_51 = arith.addi %mul3A_47, %and3A_50 : vector<16xi32>
    %mul3A_52 = arith.constant 1024 : i32
    %mul3A_53 = vector.broadcast %mul3A_52 : i32 to vector<16xi32>
    %mul3A_54 = arith.muli %add3A_41, %mul3A_53 : vector<16xi32>
    %add3A_55 = arith.addi %mul3A_54, %add3A_51 : vector<16xi32>
    %swap3A_56 = arith.constant 16 : index
    %swap3A_57 = tpu.vector_load %arg7[%swap3A_56] {strides = array<i32>} : memref<64xi32, #tpu.memory_space<vmem>>, vector<16xi32>,
    tpu.vector_store %arg7[%swap3A_56], %add3A_55 {strides = array<i32>} : memref<64xi32, #tpu.memory_space<vmem>>, vector<16xi32>,
    %add3A_58 = arith.constant 32 : i32
    %add3A_59 = arith.addi %mul3A_2, %add3A_58 : i32
    %iota3A_60 = tpu.iota {dimensions = array<i32: 0>} : vector<16xi32>
    %add3A_61 = vector.broadcast %add3A_59 : i32 to vector<16xi32>
    %add3A_62 = arith.addi %add3A_61, %iota3A_60 : vector<16xi32>
    %get3A_63 = arith.constant 32 : index
    %get3A_64 = tpu.vector_load %arg6[%get3A_63] {strides = array<i32>} : memref<64xi32, #tpu.memory_space<vmem>>, vector<16xi32>,
    %and3A_65 = arith.constant -8 : i32
    %and3A_66 = vector.broadcast %and3A_65 : i32 to vector<16xi32>
    %and3A_67 = arith.andi %get3A_64, %and3A_66 : vector<16xi32>
    %shift_right_logical3A_68 = arith.constant 7 : i32
    %shift_right_logical3A_69 = vector.broadcast %shift_right_logical3A_68 : i32 to vector<16xi32>
    %shift_right_logical3A_70 = arith.shrui %add3A_62, %shift_right_logical3A_69 : vector<16xi32>
    %add3A_71 = arith.addi %and3A_67, %shift_right_logical3A_70 : vector<16xi32>
    %and3A_72 = arith.constant 7 : i32
    %and3A_73 = vector.broadcast %and3A_72 : i32 to vector<16xi32>
    %and3A_74 = arith.andi %get3A_64, %and3A_73 : vector<16xi32>
    %mul3A_75 = arith.constant 128 : i32
    %mul3A_76 = vector.broadcast %mul3A_75 : i32 to vector<16xi32>
    %mul3A_77 = arith.muli %and3A_74, %mul3A_76 : vector<16xi32>
    %and3A_78 = arith.constant 127 : i32
    %and3A_79 = vector.broadcast %and3A_78 : i32 to vector<16xi32>
    %and3A_80 = arith.andi %add3A_62, %and3A_79 : vector<16xi32>
    %add3A_81 = arith.addi %mul3A_77, %and3A_80 : vector<16xi32>
    %mul3A_82 = arith.constant 1024 : i32
    %mul3A_83 = vector.broadcast %mul3A_82 : i32 to vector<16xi32>
    %mul3A_84 = arith.muli %add3A_71, %mul3A_83 : vector<16xi32>
    %add3A_85 = arith.addi %mul3A_84, %add3A_81 : vector<16xi32>
    %swap3A_86 = arith.constant 32 : index
    %swap3A_87 = tpu.vector_load %arg7[%swap3A_86] {strides = array<i32>} : memref<64xi32, #tpu.memory_space<vmem>>, vector<16xi32>,
    tpu.vector_store %arg7[%swap3A_86], %add3A_85 {strides = array<i32>} : memref<64xi32, #tpu.memory_space<vmem>>, vector<16xi32>,
    %add3A_88 = arith.constant 48 : i32
    %add3A_89 = arith.addi %mul3A_2, %add3A_88 : i32
    %iota3A_90 = tpu.iota {dimensions = array<i32: 0>} : vector<16xi32>
    %add3A_91 = vector.broadcast %add3A_89 : i32 to vector<16xi32>
    %add3A_92 = arith.addi %add3A_91, %iota3A_90 : vector<16xi32>
    %get3A_93 = arith.constant 48 : index
    %get3A_94 = tpu.vector_load %arg6[%get3A_93] {strides = array<i32>} : memref<64xi32, #tpu.memory_space<vmem>>, vector<16xi32>,
    %and3A_95 = arith.constant -8 : i32
    %and3A_96 = vector.broadcast %and3A_95 : i32 to vector<16xi32>
    %and3A_97 = arith.andi %get3A_94, %and3A_96 : vector<16xi32>
    %shift_right_logical3A_98 = arith.constant 7 : i32
    %shift_right_logical3A_99 = vector.broadcast %shift_right_logical3A_98 : i32 to vector<16xi32>
    %shift_right_logical3A_100 = arith.shrui %add3A_92, %shift_right_logical3A_99 : vector<16xi32>
    %add3A_101 = arith.addi %and3A_97, %shift_right_logical3A_100 : vector<16xi32>
    %and3A_102 = arith.constant 7 : i32
    %and3A_103 = vector.broadcast %and3A_102 : i32 to vector<16xi32>
    %and3A_104 = arith.andi %get3A_94, %and3A_103 : vector<16xi32>
    %mul3A_105 = arith.constant 128 : i32
    %mul3A_106 = vector.broadcast %mul3A_105 : i32 to vector<16xi32>
    %mul3A_107 = arith.muli %and3A_104, %mul3A_106 : vector<16xi32>
    %and3A_108 = arith.constant 127 : i32
    %and3A_109 = vector.broadcast %and3A_108 : i32 to vector<16xi32>
    %and3A_110 = arith.andi %add3A_92, %and3A_109 : vector<16xi32>
    %add3A_111 = arith.addi %mul3A_107, %and3A_110 : vector<16xi32>
    %mul3A_112 = arith.constant 1024 : i32
    %mul3A_113 = vector.broadcast %mul3A_112 : i32 to vector<16xi32>
    %mul3A_114 = arith.muli %add3A_101, %mul3A_113 : vector<16xi32>
    %add3A_115 = arith.addi %mul3A_114, %add3A_111 : vector<16xi32>
    %swap3A_116 = arith.constant 48 : index
    %swap3A_117 = tpu.vector_load %arg7[%swap3A_116] {strides = array<i32>} : memref<64xi32, #tpu.memory_space<vmem>>, vector<16xi32>,
    tpu.vector_store %arg7[%swap3A_116], %add3A_115 {strides = array<i32>} : memref<64xi32, #tpu.memory_space<vmem>>, vector<16xi32>,
    %dma_start3A = arith.constant 0 : i32
    %dma_start3A_118 = tpu.memref_slice %arg2[%dma_start3A] : memref<102400000xf32, #tpu.memory_space<hbm>> -> memref<102400000xf32, #tpu.memory_space<hbm>>
    tpu.enqueue_indirect_dma source(%dma_start3A_118 : memref<102400000xf32, #tpu.memory_space<hbm>>) target(%arg8 : memref<64xf32, #tpu.memory_space<vmem>>) offsets(%arg7 : memref<64xi32, #tpu.memory_space<vmem>>) semaphore(%arg11 : memref<!tpu.dma_semaphore, #tpu.memory_space<semaphore_mem>>)
    %dma_wait3A = arith.constant 0 : i32
    %dma_wait3A_119 = tpu.memref_slice %arg2[%dma_wait3A] : memref<102400000xf32, #tpu.memory_space<hbm>> -> memref<102400000xf32, #tpu.memory_space<hbm>>
    tpu.wait_indirect_dma semaphore(%arg11 : memref<!tpu.dma_semaphore, #tpu.memory_space<semaphore_mem>>) src(%dma_wait3A_119 : memref<102400000xf32, #tpu.memory_space<hbm>>) dst(%arg8 : memref<64xf32, #tpu.memory_space<vmem>>)
    %get3A_120 = arith.constant 0 : index
    %get3A_121 = tpu.vector_load %arg8[%get3A_120] {strides = array<i32>} : memref<64xf32, #tpu.memory_space<vmem>>, vector<16xf32>,
    %neg3A = arith.constant 0.000000e+00 : f32
    %neg3A_122 = vector.broadcast %neg3A : f32 to vector<16xf32>
    %neg3A_123 = arith.subf %neg3A_122, %get3A_121 : vector<16xf32>
    %get3A_124 = arith.constant 0 : index
    %get3A_125 = tpu.vector_load %arg9[%get3A_124] {strides = array<i32>} : memref<64xf32, #tpu.memory_space<vmem>>, vector<16xf32>,
    %mul3A_126 = arith.mulf %neg3A_123, %get3A_125 : vector<16xf32>
    %swap3A_127 = arith.constant 0 : index
    %swap3A_128 = tpu.vector_load %arg10[%swap3A_127] {strides = array<i32>} : memref<64xf32, #tpu.memory_space<vmem>>, vector<16xf32>,
    tpu.vector_store %arg10[%swap3A_127], %mul3A_126 {strides = array<i32>} : memref<64xf32, #tpu.memory_space<vmem>>, vector<16xf32>,
    %get3A_129 = arith.constant 16 : index
    %get3A_130 = tpu.vector_load %arg8[%get3A_129] {strides = array<i32>} : memref<64xf32, #tpu.memory_space<vmem>>, vector<16xf32>,
    %neg3A_131 = arith.constant 0.000000e+00 : f32
    %neg3A_132 = vector.broadcast %neg3A_131 : f32 to vector<16xf32>
    %neg3A_133 = arith.subf %neg3A_132, %get3A_130 : vector<16xf32>
    %get3A_134 = arith.constant 16 : index
    %get3A_135 = tpu.vector_load %arg9[%get3A_134] {strides = array<i32>} : memref<64xf32, #tpu.memory_space<vmem>>, vector<16xf32>,
    %mul3A_136 = arith.mulf %neg3A_133, %get3A_135 : vector<16xf32>
    %swap3A_137 = arith.constant 16 : index
    %swap3A_138 = tpu.vector_load %arg10[%swap3A_137] {strides = array<i32>} : memref<64xf32, #tpu.memory_space<vmem>>, vector<16xf32>,
    tpu.vector_store %arg10[%swap3A_137], %mul3A_136 {strides = array<i32>} : memref<64xf32, #tpu.memory_space<vmem>>, vector<16xf32>,
    %get3A_139 = arith.constant 32 : index
    %get3A_140 = tpu.vector_load %arg8[%get3A_139] {strides = array<i32>} : memref<64xf32, #tpu.memory_space<vmem>>, vector<16xf32>,
    %neg3A_141 = arith.constant 0.000000e+00 : f32
    %neg3A_142 = vector.broadcast %neg3A_141 : f32 to vector<16xf32>
    %neg3A_143 = arith.subf %neg3A_142, %get3A_140 : vector<16xf32>
    %get3A_144 = arith.constant 32 : index
    %get3A_145 = tpu.vector_load %arg9[%get3A_144] {strides = array<i32>} : memref<64xf32, #tpu.memory_space<vmem>>, vector<16xf32>,
    %mul3A_146 = arith.mulf %neg3A_143, %get3A_145 : vector<16xf32>
    %swap3A_147 = arith.constant 32 : index
    %swap3A_148 = tpu.vector_load %arg10[%swap3A_147] {strides = array<i32>} : memref<64xf32, #tpu.memory_space<vmem>>, vector<16xf32>,
    tpu.vector_store %arg10[%swap3A_147], %mul3A_146 {strides = array<i32>} : memref<64xf32, #tpu.memory_space<vmem>>, vector<16xf32>,
    %get3A_149 = arith.constant 48 : index
    %get3A_150 = tpu.vector_load %arg8[%get3A_149] {strides = array<i32>} : memref<64xf32, #tpu.memory_space<vmem>>, vector<16xf32>,
    %neg3A_151 = arith.constant 0.000000e+00 : f32
    %neg3A_152 = vector.broadcast %neg3A_151 : f32 to vector<16xf32>
    %neg3A_153 = arith.subf %neg3A_152, %get3A_150 : vector<16xf32>
    %get3A_154 = arith.constant 48 : index
    %get3A_155 = tpu.vector_load %arg9[%get3A_154] {strides = array<i32>} : memref<64xf32, #tpu.memory_space<vmem>>, vector<16xf32>,
    %mul3A_156 = arith.mulf %neg3A_153, %get3A_155 : vector<16xf32>
    %swap3A_157 = arith.constant 48 : index
    %swap3A_158 = tpu.vector_load %arg10[%swap3A_157] {strides = array<i32>} : memref<64xf32, #tpu.memory_space<vmem>>, vector<16xf32>,
    tpu.vector_store %arg10[%swap3A_157], %mul3A_156 {strides = array<i32>} : memref<64xf32, #tpu.memory_space<vmem>>, vector<16xf32>,
    "tpu.region"() ({
      %run_scoped3A = tpu.sem_alloc : memref<!tpu.dma_semaphore, #tpu.memory_space<semaphore_mem>>
      %dma_start3A_159 = tpu.memref_slice %arg5[%mul3A_2] : memref<1024xf32, #tpu.memory_space<hbm>> -> memref<64xf32, #tpu.memory_space<hbm>>
      %dma_start3A_160 = tpu.memref_slice %arg5[%mul3A_2] : memref<1024xf32, #tpu.memory_space<hbm>> -> memref<64xf32, #tpu.memory_space<hbm>>
      tpu.enqueue_dma source(%arg10 : memref<64xf32, #tpu.memory_space<vmem>>) target(%dma_start3A_160 : memref<64xf32, #tpu.memory_space<hbm>>) target_semaphore(%run_scoped3A : memref<!tpu.dma_semaphore, #tpu.memory_space<semaphore_mem>>)
      %dma_wait3A_161 = tpu.memref_slice %arg5[%mul3A_2] : memref<1024xf32, #tpu.memory_space<hbm>> -> memref<64xf32, #tpu.memory_space<hbm>>
      %dma_wait3A_162 = tpu.memref_slice %arg5[%mul3A_2] : memref<1024xf32, #tpu.memory_space<hbm>> -> memref<64xf32, #tpu.memory_space<hbm>>
      tpu.wait_dma2 semaphore(%run_scoped3A : memref<!tpu.dma_semaphore, #tpu.memory_space<semaphore_mem>>) src(%arg10 : memref<64xf32, #tpu.memory_space<vmem>>) dst(%dma_wait3A_162 : memref<64xf32, #tpu.memory_space<hbm>>)
      tpu.yield
    }) : () -> ()
    return
  }
}

</mosaic_0001>

<sc_bundles>
// kernel: kernel.3.cloned.1.call-start
scs
__scs_entry_jumppad:
0x0: {  	(pc) =	sbr.rel $0x88, $3  }
0x1: {  	(tag) =	ssettag $0x0;
	lr =	simm.s32 $0x1  }
0x2: {  	[smem:$0x3F9E] =	sst lr;
	_ =	strace $0xD0000000  }
0x3: {  	_ = 	snop  }
0x4: {  	_ = 	snop  }
0x5: {  	_ = 	snop  }
0x6: {  	_ = 	snop  }
0x7: {  	_ = 	snop  }
__scs_overlays_trampoline_lowered:
0x8: {  	[smem:$0x3FAD] =	sst s0  }
0x9: {  	[smem:$0x3FAE] =	sst s1  }
0xa: {  	[smem:$0x3FAF] =	sst s2  }
0xb: {  	[smem:$0x3FB0] =	sst s3  }
0xc: {  	[smem:$0x3FB1] =	sst s4  }
0xd: {  	[smem:$0x3FB2] =	sst s5  }
0xe: {  	[smem:$0x3FB3] =	sst s6  }
0xf: {  	[smem:$0x3FB4] =	sst s7  }
0x10: {  	[smem:$0x3FB5] =	sst s8  }
0x11: {  	[smem:$0x3FB6] =	sst s9;
	s0 =	simm.s32 @!p0 $0x0  }
0x12: {  	s1 =	sld [smem:$0x3F9C];
	s0 =	simm.s32 @p0 $0x1  }
0x13: {  	[smem:$0x3FB7] =	sst s0;
	s0 =	simm.s32 @!p1 $0x0  }
0x14: {  	s2 =	sld [smem:$0x3F9B];
	s0 =	simm.s32 @p1 $0x1  }
0x15: {  	[smem:$0x3FB8] =	sst s0;
	s0 =	simm.s32 @!p2 $0x0  }
0x16: {  	s3 =	sld [smem:$0x3FDB];
	s0 =	simm.s32 @p2 $0x1  }
0x17: {  	s4 =	simm.s32 $0x1BF5;
	[smem:$0x3FBA] =	sst s0  }
0x18: {  	s0 =	sld [smem:$0x3F9D];
	_ =	swait.ge [sflag:s4], $0x0  }
0x19: {  	s7 =	sld [smem:$0x3F9E]  }
0x1a: {  	s8 =	sadd.s32 $0xFFFFE003, lr  }
0x1b: {  	s9 =	sadd.s32 $0xFFFFFEF7, lr;
	s5 =	simm.s32 $0xFFFFFFFF;
	p2 =	slt.u32 s8, $0xFFFFF086  }
0x1c: {  	p1 =	slt.u32 s9, $0xF7A;
	s5 =	simm.s32 @!p2 $0x0  }
0x1d: {  	s5 =	simm.s32 @p1 $0x1;
	p0 =	seq.s32 s7, s2  }
0x1e: {  	s7 =	smul.u32 @!p0 $0xF7A, s2;
	p2 =	seq.s32 @!p0 s5, $0x0  }
0x1f: {  	s9 =	smul.u32 $0xF7A, s1;
	s8 =	simm.s32 @!p0 $0x1BF5;
	p2 =	por !p2, p0  }
0x20: {  	[sflag:s8] =	ssyncset.s32 @!p0 $0xFFFFF086;
	s6 =	sadd.s32 @!p0 s3, s7;
	s7 =	simm.s32 @!p0 $0x108  }
0x21: {  	s3 =	sadd.s32 s3, s9;
	s6 =	sadd.s32 @!p0 $0x88, s6;
	s7 =	simm.s32 @p2 $0x1082  }
0x22: {  	[simem:s7], [sflag:s8] =	dma.local @!p0 [hbm:s6], $0xF7A  }
0x23: {  	s9 =	sor.u32 $0xD0000000, s2;
	s6 =	simm.s32 $0x108;
	_ =	swait.ge @!p0 [sflag:s8], $0x0  }
0x24: {  	s3 =	sadd.s32 $0x88, s3;
	s6 =	simm.s32 @!p1 $0x1082;
	[sflag:s4] =	ssyncset.s32 $0xFFFFF086  }
0x25: {  	[simem:s6], [sflag:s4] =	dma.local [hbm:s3], $0xF7A  }
0x26: {  	[smem:$0x3F9E] =	sst s1;
	(tag) =	ssettag s2;
	_ =	strace s9  }
0x27: {  	s1 =	sld [smem:$0x3FAE]  }
0x28: {  	s2 =	sld [smem:$0x3FAF]  }
0x29: {  	s4 =	sld [smem:$0x3FB1]  }
0x2a: {  	p0 =	seq.s32 s5, $0x0;
	s5 =	sld [smem:$0x3FB2]  }
0x2b: {  	s6 =	sld [smem:$0x3FB3]  }
0x2c: {  	s7 =	sld [smem:$0x3FB4]  }
0x2d: {  	s3 =	simm.s32 $0x108;
	s8 =	sld [smem:$0x3FB5]  }
0x2e: {  	s3 =	simm.s32 @!p0 $0x1082;
	s9 =	sld [smem:$0x3FB6]  }
0x2f: {  	lr =	sadd.s32 s0, s3;
	s0 =	sld [smem:$0x3FAD]  }
0x30: {  	s3 =	sld [smem:$0x3FB0]  }
0x31: {  	[smem:$0x3FB9] =	sst s10  }
0x32: {  	s10 =	sld [smem:$0x3FB7];
	_ =	sdelay $0x3  }
0x33: {  	p0 =	seq.s32 s10, $0x1;
	s10 =	sld [smem:$0x3FB9];
	_ =	sdelay $0x3  }
0x34: {  	[smem:$0x3FB9] =	sst s10  }
0x35: {  	s10 =	sld [smem:$0x3FB8];
	_ =	sdelay $0x3  }
0x36: {  	p1 =	seq.s32 s10, $0x1;
	s10 =	sld [smem:$0x3FB9];
	_ =	sdelay $0x3  }
0x37: {  	[smem:$0x3FB9] =	sst s10  }
0x38: {  	s10 =	sld [smem:$0x3FBA]  }
0x39: {  	_ = 	snop;
	(pc) =	sbr.ind lr, $3  }
0x3a: {  	_ = 	snop  }
0x3b: {  	_ = 	snop  }
0x3c: {  	p2 =	seq.s32 s10, $0x1;
	s10 =	sld [smem:$0x3FB9]  }
0x3d: {  	_ =	shalt  }
0x3e: {  	_ =	shalt  }
0x3f: {  	_ =	shalt  }
0x40: {  	_ =	shalt  }
0x41: {  	_ =	shalt  }
0x42: {  	_ =	shalt  }
0x43: {  	_ =	shalt  }
0x44: {  	_ =	shalt  }
0x45: {  	_ =	shalt  }
0x46: {  	_ =	shalt  }
0x47: {  	_ =	shalt  }
0x48: {  	_ =	shalt  }
0x49: {  	_ =	shalt  }
0x4a: {  	_ =	shalt  }
0x4b: {  	_ =	shalt  }
0x4c: {  	_ =	shalt  }
0x4d: {  	_ =	shalt  }
0x4e: {  	_ =	shalt  }
0x4f: {  	_ =	shalt  }
0x50: {  	_ =	shalt  }
0x51: {  	_ =	shalt  }
0x52: {  	_ =	shalt  }
0x53: {  	_ =	shalt  }
0x54: {  	_ =	shalt  }
0x55: {  	_ =	shalt  }
0x56: {  	_ =	shalt  }
0x57: {  	_ =	shalt  }
0x58: {  	_ =	shalt  }
0x59: {  	_ =	shalt  }
0x5a: {  	_ =	shalt  }
0x5b: {  	_ =	shalt  }
0x5c: {  	_ =	shalt  }
0x5d: {  	_ =	shalt  }
0x5e: {  	_ =	shalt  }
0x5f: {  	_ =	shalt  }
0x60: {  	_ =	shalt  }
0x61: {  	_ =	shalt  }
0x62: {  	_ =	shalt  }
0x63: {  	_ =	shalt  }
0x64: {  	_ =	shalt  }
0x65: {  	_ =	shalt  }
0x66: {  	_ =	shalt  }
0x67: {  	_ =	shalt  }
0x68: {  	_ =	shalt  }
0x69: {  	_ =	shalt  }
0x6a: {  	_ =	shalt  }
0x6b: {  	_ =	shalt  }
0x6c: {  	_ =	shalt  }
0x6d: {  	_ =	shalt  }
0x6e: {  	_ =	shalt  }
0x6f: {  	_ =	shalt  }
0x70: {  	_ =	shalt  }
0x71: {  	_ =	shalt  }
0x72: {  	_ =	shalt  }
0x73: {  	_ =	shalt  }
0x74: {  	_ =	shalt  }
0x75: {  	_ =	shalt  }
0x76: {  	_ =	shalt  }
0x77: {  	_ =	shalt  }
0x78: {  	_ =	shalt  }
0x79: {  	_ =	shalt  }
0x7a: {  	_ =	shalt  }
0x7b: {  	_ =	shalt  }
0x7c: {  	_ =	shalt  }
0x7d: {  	_ =	shalt  }
0x7e: {  	_ =	shalt  }
0x7f: {  	_ =	shalt  }
0x80: {  	_ =	shalt  }
0x81: {  	_ =	shalt  }
0x82: {  	_ =	shalt  }
0x83: {  	_ =	shalt  }
0x84: {  	_ =	shalt  }
0x85: {  	_ =	shalt  }
0x86: {  	_ =	shalt  }
0x87: {  	_ =	shalt  }
.Lfunc_end0:
.L_simem_size_0:
called_computation_lowered:
.L_overlay_start_0:
0x88: {  	s0 =	sld [smem:$0x3FD9]  }
0x89: {  	s1 =	sld [smem:$0x3FFE];
	_ =	sdelay $0x3  }
0x8a: {  	s0 =	sadd.s32 s1, s0  }
0x8b: {  	[smem:$0x3FC5] =	sst s0  }
0x8c: {  	_ = 	snop  }
0x8d: {  	s0 =	sld [smem:$0x3FC9]  }
0x8e: {  	s17 =	sld [smem:$0x3FC8]  }
0x8f: {  	s2 =	sld [smem:$0x3FC7]  }
0x90: {  	s3 =	sld [smem:$0x3FD0];
	(tm) =	ssettm $0x1  }
0x91: {  	s4 =	sld [smem:$0x3FFB];
	_ =	sdelay $0x3  }
0x92: {  	_ =	strace s4  }
0x93: {  	s4 =	sld [smem:$0x3FFC];
	_ =	sdelay $0x3  }
0x94: {  	_ =	strace s4  }
0x95: {  	s4 =	sld [smem:$0x3FFD];
	_ =	sdelay $0x3  }
0x96: {  	_ =	strace s4  }
0x97: {  	_ =	strace $0x8FFFFFFF  }
0x98: {  	s18 =	sld [smem:$0x3FDB];
	_ =	sdelay $0x1  }
0x99: {  	s5 =	simm.s32 $_scs_section_size  }
0x9a: {  	s6 =	simm.s32 $_size__tile_overlayer_lowered;
	s7 =	simm.s32 $_tile_overlayer_lowered  }
0x9b: {  	s21 =	simm.s32 $0x1BFF;
	s20 =	sshll.u32 s7, $0x1;
	s4 =	sadd.s32 s5, s18  }
0x9c: {  	s8 =	simm.s32 $0x0;
	s19 =	sshll.u32 s6, $0x1;
	s6 =	sadd.s32 s20, s4  }
0x9d: {  	[timem:s8], [sflag:s21] =	dma.local [hbm:s6], s19  }
0x9e: {  	_ =	swait.ge [sflag:s21], s19  }
0x9f: {  	s5 =	ssub.s32 $0x0, s19;
	[sflag:s21] =	ssyncset.done $0x0  }
0xa0: {  	[sflag:s21] =	ssyncadd.s32 s5;
	_ =	sdelay $0x1  }
0xa1: {  	s22 =	simm.s32 $0x1B8B  }
0xa2: {  	_ =	swait.ge [sflag:s22], $0x1  }
0xa3: {  	[sflag:s22] =	ssyncset.done $0x0  }
0xa4: {  	s23 =	simm.s32 $0x1B8E;
	[sflag:s22] =	ssyncadd.s32 $0xFFFFFFFF  }
0xa5: {  	s24 =	simm.s32 $execute0_lowered;
	[smem:$0x3FD2] =	sst s23  }
0xa6: {  	s5 =	sshll.u32 s24, $0x1;
	_ =	strace $0x80000046;
	[dreg:$0x1] =	wrdreg $0xFFFFFFFF  }
0xa7: {  	s25 =	simm.s32 $_size_execute0_lowered;
	s4 =	sadd.s32 s4, s5;
	[dreg:$0x0] =	wrdreg $0x0  }
0xa8: {  	s5 =	sshll.u32 s25, $0x1;
	[dreg:$0x2] =	wrdreg s4  }
0xa9: {  	[dreg:$0x3] =	wrdreg s5  }
0xaa: {  	[dreg:$0x4] =	wrdreg $0xC0  }
0xab: {  	_ =	task [dreg:s8], $0x5FFFF  }
0xac: {  	[dreg:$0x1] =	wrdreg $0xFFFFFFFF  }
0xad: {  	[dreg:$0x0] =	wrdreg $0x60  }
0xae: {  	[dreg:$0x2] =	wrdreg s0  }
0xaf: {  	[dreg:$0x3] =	wrdreg s17  }
0xb0: {  	[dreg:$0x4] =	wrdreg s2  }
0xb1: {  	[dreg:$0x5] =	wrdreg s3  }
0xb2: {  	[dreg:$0x6] =	wrdreg $0x9  }
0xb3: {  	_ =	task.clear_ibuf [dreg:s8], $0x7FFFF;
	_ =	strace $0x90000046  }
0xb4: {  	s26 =	simm.s32 $0x9;
	_ =	strace $0x80000048  }
0xb5: {  	_ =	swait.ge [sflag:s26], $0x1  }
0xb6: {  	[sflag:s26] =	ssyncadd.s32 $0xFFFFFFFF  }
0xb7: {  	_ =	strace $0x90000048  }
0xb8: {  	_ =	sfence  }
0xb9: {  	s28 =	sld [smem:$0x0];
	_ =	sdelay $0x1  }
0xba: {  	s29 =	srdreg.scid  }
0xbb: {  	s30 =	sshll.u32 s29, $0xD;
	s31 =	sshrl.u32 s29, $0x2  }
0xbc: {  	s1 =	sand.u32 $0x1, s29;
	s2 =	sand.u32 $0x4000, s30;
	s0 =	sadd.s32 s31, s28  }
0xbd: {  	s1 =	sor.u32 s2, s1;
	s0 =	sshll.u32 s0, $0x11  }
0xbe: {  	s0 =	sor.u32 s0, s1  }
0xbf: {  	s0 =	sadd.s32 $0x8F2B, s0  }
0xc0: {  	[sflag:s0] =	ssyncadd.remote.s32 $0x1  }
0xc1: {  	_ =	sfence.sel $0xFFFF  }
0xc2: {  	[dreg:$0x0] =	wrdreg $0xFFFFFFFF;
	(pc) =	sbr.abs _section_cstart, $3  }
0xc3: {  	[dreg:$0x1] =	wrdreg $0xFFFFFFFF  }
0xc4: {  	_ =	task.clear_ibuf [dreg:s8], $0x2FFFF;
	_ =	strace $0x9FFFFFFF  }
0xc5: {  	(tm) =	ssettm $0x7FFFFFFF  }
tec
execute0_lowered:
.L_overlay_start_1:
0x0: {  	(tag) =	ssettag $0x1  }
0x1: {  	s6 =	rddreg [dreg:$0x0]  }
0x2: {  	s4 =	rddreg [dreg:$0x1]  }
0x3: {  	s7 =	rddreg [dreg:$0x2]  }
0x4: {  	s3 =	rddreg [dreg:$0x3]  }
0x5: {  	s0 =	rddreg [dreg:$0x4];
	s2 =	simm.s32 $0x0;
	s1 =	stileid.u32  }
0x6: {  	[smem:$0x7FF] =	sst s2;
	s5 =	sshll.u32 s1, $0x3  }
0x7: {  	s23 =	simm.s32 $0x2;
	_ =	strace $0x80000047;
	s4 =	sadd.s32 s4, s5  }
0x8: {  	[tilespmem:s2], [sflag:$0x2] =	stream.linear.gather [hbm4b:s4+s2], $0x40, $0x38;
	[tilespmem:$0x280] =	vst v63  }
0x9: {  	_ =	swait.ge [sflag:s23], $0x40  }
0xa: {  	[sflag:s23] =	ssyncset.done $0x0  }
0xb: {  	s8 =	simm.s32 $0x180;
	s7 =	sadd.s32 s7, s5;
	[sflag:s23] =	ssyncadd.s32 $0xFFFFFFC0  }
0xc: {  	[tilespmem:s8], [sflag:$0x2] =	stream.linear.gather [hbm4b:s7+s2], $0x40, $0x38;
	[tilespmem:$0x280] =	vst v63  }
0xd: {  	_ =	swait.ge [sflag:s23], $0x40  }
0xe: {  	[sflag:s23] =	ssyncset.done $0x0  }
0xf: {  	[sflag:s23] =	ssyncadd.s32 $0xFFFFFFC0  }
0x10: {  	s24 =	sshll.u32 s1, $0x6;
	v0 =	vld [tilespmem:$0x0]  }
0x11: {  	v2 =	vlaneseq.u32;
	v1 =	vmov s24;
	s25 =	sor.u32 $0x10, s24;
	v5 =	vld [tilespmem:$0x10]  }
0x12: {  	v3 =	vor.u32 s24, v2;
	s26 =	sor.u32 $0x20, s24;
	v1 =	vshrl.u32 v1, $0x7;
	v4 =	vmov s25;
	v37 =	vld [tilespmem:$0x20]  }
0x13: {  	v3 =	vand.u32 $0x4F, v3;
	v6 =	vor.u32 s25, v2;
	v7 =	vmov s26;
	v41 =	vld [tilespmem:$0x30]  }
0x14: {  	v8 =	vor.u32 s26, v2;
	v4 =	vshrl.u32 v4, $0x7;
	v6 =	vand.u32 $0x5F, v6;
	s7 =	sor.u32 $0x30, s24  }
0x15: {  	v7 =	vshrl.u32 v7, $0x7;
	v8 =	vand.u32 $0x6F, v8;
	v2 =	vor.u32 s7, v2  }
0x16: {  	v42 =	vmov s7;
	v2 =	vand.u32 $0x7F, v2;
	v9 =	vand.u32 $0x3FFFF8, v0  }
0x17: {  	v0 =	vshll.u32 v0, $0x7;
	v38 =	vand.u32 $0x3FFFF8, v5;
	v40 =	vshll.u32 v5, $0x7  }
0x18: {  	v5 =	vshrl.u32 v42, $0x7;
	v43 =	vand.u32 $0x3FFFF8, v37;
	v46 =	vand.u32 $0x3FFFF8, v41  }
0x19: {  	v1 =	vor.u32 v1, v9;
	v0 =	vand.u32 $0x380, v0;
	v39 =	vor.u32 v4, v38  }
0x1a: {  	v9 =	vshll.u32 v37, $0x7;
	v44 =	vor.u32 v7, v43;
	v4 =	vshll.u32 v41, $0x7  }
0x1b: {  	v48 =	vor.u32 v5, v46;
	v0 =	vor.u32 v0, v3;
	v1 =	vshll.u32 v1, $0xA  }
0x1c: {  	v3 =	vand.u32 $0x380, v40;
	v45 =	vand.u32 $0x380, v9;
	v47 =	vshll.u32 v44, $0xA  }
0x1d: {  	v0 =	vor.u32 v0, v1;
	v3 =	vor.u32 v3, v6;
	v1 =	vshll.u32 v39, $0xA  }
0x1e: {  	v4 =	vand.u32 $0x380, v4;
	v6 =	vor.u32 v45, v8;
	v1 =	vor.u32 v3, v1;
	[tilespmem:$0x80] =	vst v0  }
0x1f: {  	v50 =	vshll.u32 v48, $0xA;
	v49 =	vor.u32 v4, v2;
	v0 =	vor.u32 v6, v47;
	[tilespmem:$0x90] =	vst v1  }
0x20: {  	s28 =	simm.s32 $0x40;
	v51 =	vor.u32 v49, v50;
	[tilespmem:$0xA0] =	vst v0  }
0x21: {  	s29 =	simm.s32 $0x80;
	s9 =	simm.s32 $0x100;
	s30 =	simm.s32 $0x1;
	[tilespmem:$0xB0] =	vst v51  }
0x22: {  	[tilespmem:s9], [sflag:$0x1] =	stream.indirect.gather [hbm4b:s6+s28], $0x1, s29, s28, $0xb8;
	[tilespmem:$0x280] =	vst v63  }
0x23: {  	_ =	swait.ge [sflag:s30], $0x40  }
0x24: {  	[sflag:s30] =	ssyncset.done $0x0  }
0x25: {  	[sflag:s30] =	ssyncadd.s32 $0xFFFFFFC0  }
0x26: {  	v52 =	vld [tilespmem:$0x100]  }
0x27: {  	v53 =	vld [tilespmem:$0x180]  }
0x28: {  	v54 =	vld [tilespmem:$0x110]  }
0x29: {  	v55 =	vld [tilespmem:$0x190]  }
0x2a: {  	v56 =	vld [tilespmem:$0x120]  }
0x2b: {  	v57 =	vld [tilespmem:$0x130]  }
0x2c: {  	v58 =	vld [tilespmem:$0x1A0]  }
0x2d: {  	v59 =	vld [tilespmem:$0x1B0];
	v0 =	vsub.f32 $0.0e+00, v52  }
0x2e: {  	v2 =	vsub.f32 $0.0e+00, v54  }
0x2f: {  	v60 =	vsub.f32 $0.0e+00, v56;
	v0 =	vmul.f32 v53, v0  }
0x30: {  	v61 =	vsub.f32 $0.0e+00, v57;
	v2 =	vmul.f32 v55, v2  }
0x31: {  	v62 =	vmul.f32 v58, v60;
	[tilespmem:$0x200] =	vst v0  }
0x32: {  	v63 =	vmul.f32 v59, v61;
	[tilespmem:$0x210] =	vst v2  }
0x33: {  	[tilespmem:$0x220] =	vst v62  }
0x34: {  	s31 =	simm.s32 $0x200;
	s3 =	sadd.s32 s3, s5;
	[tilespmem:$0x230] =	vst v63  }
0x35: {  	[hbm4b:s3+s2] =	stream.linear.scatter [tilespmem:s31], [sflag:$0x2], $0x40, $0x38;
	[tilespmem:$0x280] =	vst v63  }
0x36: {  	_ =	swait.ge [sflag:s23], $0x40  }
0x37: {  	[sflag:s23] =	ssyncset.done $0x0  }
0x38: {  	[sflag:s23] =	ssyncadd.s32 $0xFFFFFFC0  }
0x39: {  	_ =	sfence.sel $0x180000  }
0x3a: {  	[bflag:$0x0] =	sbarrier.arrive $0xFFFF  }
0x3b: {  	p0 =	sne.s32 s1, $0x0;
	_ =	strace $0x90000047  }
0x3c: {  	s0 =	sadd.s32 @!p0 $0x100000, s0;
	[bflag:$0x2] =	sbarrier.arrive $0xFFFF  }
0x3d: {  	[sflag:s0] =	ssyncadd.tile.s32 @!p0 $0x1;
	_ =	shalt  }
.Lfunc_end2:
_tile_overlayer_lowered:
.L_overlay_start_2:
0x3e: {  	(tag) =	ssettag $0x2  }
0x3f: {  	s0 =	rddreg [dreg:$0x0];
	s2 =	stileid.u32  }
0x40: {  	s1 =	rddreg [dreg:$0x1];
	p0 =	sne.s32 s2, $0x0  }
0x41: {  	s3 =	rddreg [dreg:$0x2];
	[bflag:$0x3] =	sbarrier.arrive $0xFFFF;
	s2 =	simm.s32 @!p0 $0x1C02  }
0x42: {  	[timem:s3], [sflag:s2] =	dma.local @!p0 [hbm:s0], s1  }
0x43: {  	s0 =	simm.s32 @!p0 $0x2  }
0x44: {  	_ =	swait.ge @!p0 [sflag:s0], s1  }
0x45: {  	s1 =	ssub.s32 @!p0 $0x0, s1;
	[sflag:s0] =	ssyncset.done @!p0 $0x0  }
0x46: {  	[sflag:s0] =	ssyncadd.s32 @!p0 s1  }
0x47: {  	[bflag:$0x3] =	sbarrier.arrive $0xFFFF  }
0x48: {  	_ =	shalt  }

</sc_bundles>
